<compile_context>
chip_gen: v7x
topology: tpu7x:2x2x1
jax: 0.10.2.dev20260603
libtpu: 0.0.44.dev20260713+nightly
codegen_flags: <defaults>
</compile_context>

<pallas_src>
import functools
import jax
import jax.numpy as jnp
from jax import lax
from jax.experimental import pallas as pl
from jax.experimental.pallas import tpu as pltpu
from jax.experimental.pallas import tpu_sc as plsc

_L = 16


def kernel(date, table):
    n, c = date.shape
    e = table.shape[1]
    b = n * c
    info = plsc.get_sparse_core_info()
    nw = info.num_cores * info.num_subcores
    b_per_w = b // nw
    chunk = 2048
    n_chunks = b_per_w // chunk

    idx_flat = date.reshape(b)
    table_flat = table.reshape(table.shape[0] * e)

    mesh = plsc.VectorSubcoreMesh(core_axis_name="c", subcore_axis_name="s")

    @functools.partial(
        pl.kernel,
        mesh=mesh,
        out_type=jax.ShapeDtypeStruct((b * e,), jnp.float32),
        scratch_types=[
            pltpu.VMEM((table.shape[0] * e,), jnp.float32),
            pltpu.VMEM((chunk,), jnp.int32),
            pltpu.VMEM((chunk * e,), jnp.float32),
        ],
        compiler_params=pltpu.CompilerParams(needs_layout_passes=False),
    )
    def _k(idx_hbm, tab_hbm, out_hbm, tab_v, idx_v, rows_v):
        wid = lax.axis_index("s") * info.num_cores + lax.axis_index("c")
        base = wid * b_per_w
        pltpu.sync_copy(tab_hbm, tab_v)
        iota = lax.iota(jnp.int32, _L)

        def chunk_body(ci, _):
            off = base + ci * chunk
            pltpu.sync_copy(idx_hbm.at[pl.ds(off, chunk)], idx_v)

            def step(i, _):
                dvec = idx_v[pl.ds(i * _L, _L)]
                rowbase = dvec * e
                posbase = iota * e + i * (e * _L)
                for k in range(e):
                    vals = plsc.load_gather(tab_v, [rowbase + k])
                    plsc.store_scatter(rows_v, [posbase + k], vals)
                return 0

            lax.fori_loop(0, chunk // _L, step, 0, unroll=False)
            pltpu.sync_copy(rows_v, out_hbm.at[pl.ds(off * e, chunk * e)])
            return 0

        lax.fori_loop(0, n_chunks, chunk_body, 0, unroll=False)

    out = _k(idx_flat, table_flat)
    return out.reshape(n, c, e)

# --- scband reference (transcript-rebuilt; emitter-appended) ---
"""Pipeline reference for scband-season-embedding-38208029066057 (READ-ONLY COPY).

The authoritative reference and input builder live on the scoring server;
editing this copy changes nothing except your own understanding.
"""

import jax, jax.numpy as jnp
import numpy as np

def setup_inputs(seed: int = 0) -> dict:
    key = jax.random.key(seed)
    k1, k2 = jax.random.split(key)
    date = jax.random.randint(k1, (16384, 200), 0, 4, dtype=jnp.int64 if jax.config.jax_enable_x64 else jnp.int32)
    table = jax.random.normal(k2, (4, 16), dtype=jnp.float32)
    return {"date": date, "table": table}

def reference(date, table):
    # nn.Embedding(4, 16) lookup: gather rows of the table by index
    return jnp.take(table, date, axis=0)

if __name__ == "__main__":
    import jax
    _d = setup_inputs()
    print(jax.jit(kernel)(*tuple(_d.values())))

</pallas_src>

<mosaic_0001>
#map = affine_map<(d0, d1) -> (0)>
module attributes {stable_mosaic.version = 14 : i64} {
  func.func @_k(%arg0: i32, %arg1: i32, %arg2: memref<3276800xi32, #tpu.memory_space<hbm>>, %arg3: memref<64xf32, #tpu.memory_space<hbm>>, %arg4: memref<52428800xf32, #tpu.memory_space<hbm>>, %arg5: memref<64xf32, #tpu.memory_space<vmem>>, %arg6: memref<2048xi32, #tpu.memory_space<vmem>>, %arg7: memref<32768xf32, #tpu.memory_space<vmem>>) attributes {dimension_semantics = [#tpu.dimension_semantics<core_parallel>, #tpu.dimension_semantics<subcore_parallel>], iteration_bounds = array<i64: 2, 16>, scalar_prefetch = 0 : i64, scratch_operands = 3 : i64, tpu.core_type = #tpu.core_type<sc_vector_subcore>, window_params = [{transform_indices = #map}, {transform_indices = #map}, {transform_indices = #map}]} {
    %mul3A = arith.constant 2 : i32
    %mul3A_0 = arith.muli %arg1, %mul3A : i32
    %add3A = arith.addi %mul3A_0, %arg0 : i32
    %mul3A_1 = arith.constant 102400 : i32
    %mul3A_2 = arith.muli %add3A, %mul3A_1 : i32
    "tpu.region"() ({
      %run_scoped3A = tpu.sem_alloc : memref<!tpu.dma_semaphore, #tpu.memory_space<semaphore_mem>>
      tpu.enqueue_dma source(%arg3 : memref<64xf32, #tpu.memory_space<hbm>>) target(%arg5 : memref<64xf32, #tpu.memory_space<vmem>>) target_semaphore(%run_scoped3A : memref<!tpu.dma_semaphore, #tpu.memory_space<semaphore_mem>>)
      tpu.wait_dma2 semaphore(%run_scoped3A : memref<!tpu.dma_semaphore, #tpu.memory_space<semaphore_mem>>) src(%arg3 : memref<64xf32, #tpu.memory_space<hbm>>) dst(%arg5 : memref<64xf32, #tpu.memory_space<vmem>>)
      tpu.yield
    }) : () -> ()
    %iota3A = tpu.iota {dimensions = array<i32: 0>} : vector<16xi32>
    %scan3A = arith.constant 0 : i32
    %scan3A_3 = arith.constant 0 : i32
    %scan3A_4 = arith.constant 50 : i32
    %scan3A_5 = arith.addi %scan3A_3, %scan3A_4 : i32
    %scan3A_6 = arith.constant 1 : i32
    %scan3A_7 = scf.for %scan3A_9 = %scan3A_3 to %scan3A_5 step %scan3A_6 iter_args(%scan3A_10 = %scan3A) -> (i32)  : i32 {
      %mul3A_11 = arith.constant 2048 : i32
      %mul3A_12 = arith.muli %scan3A_9, %mul3A_11 : i32
      %add3A_13 = arith.addi %mul3A_2, %mul3A_12 : i32
      "tpu.region"() ({
        %run_scoped3A = tpu.sem_alloc : memref<!tpu.dma_semaphore, #tpu.memory_space<semaphore_mem>>
        %dma_start3A = tpu.memref_slice %arg2[%add3A_13] : memref<3276800xi32, #tpu.memory_space<hbm>> -> memref<2048xi32, #tpu.memory_space<hbm>>
        %dma_start3A_24 = tpu.memref_slice %arg2[%add3A_13] : memref<3276800xi32, #tpu.memory_space<hbm>> -> memref<2048xi32, #tpu.memory_space<hbm>>
        tpu.enqueue_dma source(%dma_start3A_24 : memref<2048xi32, #tpu.memory_space<hbm>>) target(%arg6 : memref<2048xi32, #tpu.memory_space<vmem>>) target_semaphore(%run_scoped3A : memref<!tpu.dma_semaphore, #tpu.memory_space<semaphore_mem>>)
        %dma_wait3A = tpu.memref_slice %arg2[%add3A_13] : memref<3276800xi32, #tpu.memory_space<hbm>> -> memref<2048xi32, #tpu.memory_space<hbm>>
        %dma_wait3A_25 = tpu.memref_slice %arg2[%add3A_13] : memref<3276800xi32, #tpu.memory_space<hbm>> -> memref<2048xi32, #tpu.memory_space<hbm>>
        tpu.wait_dma2 semaphore(%run_scoped3A : memref<!tpu.dma_semaphore, #tpu.memory_space<semaphore_mem>>) src(%dma_wait3A_25 : memref<2048xi32, #tpu.memory_space<hbm>>) dst(%arg6 : memref<2048xi32, #tpu.memory_space<vmem>>)
        tpu.yield
      }) : () -> ()
      %scan3A_14 = arith.constant 0 : i32
      %scan3A_15 = arith.constant 0 : i32
      %scan3A_16 = arith.constant 128 : i32
      %scan3A_17 = arith.addi %scan3A_15, %scan3A_16 : i32
      %scan3A_18 = arith.constant 1 : i32
      %scan3A_19 = scf.for %scan3A_24 = %scan3A_15 to %scan3A_17 step %scan3A_18 iter_args(%scan3A_25 = %scan3A_14) -> (i32)  : i32 {
        %mul3A_26 = arith.constant 16 : i32
        %mul3A_27 = arith.muli %scan3A_24, %mul3A_26 : i32
        %get3A = arith.index_cast %mul3A_27 : i32 to index
        %get3A_28 = tpu.vector_load %arg6[%get3A] {strides = array<i32>} : memref<2048xi32, #tpu.memory_space<vmem>>, vector<16xi32>,
        %mul3A_29 = arith.constant 16 : i32
        %mul3A_30 = vector.broadcast %mul3A_29 : i32 to vector<16xi32>
        %mul3A_31 = arith.muli %get3A_28, %mul3A_30 : vector<16xi32>
        %mul3A_32 = arith.constant 16 : i32
        %mul3A_33 = vector.broadcast %mul3A_32 : i32 to vector<16xi32>
        %mul3A_34 = arith.muli %iota3A, %mul3A_33 : vector<16xi32>
        %mul3A_35 = arith.constant 256 : i32
        %mul3A_36 = arith.muli %scan3A_24, %mul3A_35 : i32
        %add3A_37 = vector.broadcast %mul3A_36 : i32 to vector<16xi32>
        %add3A_38 = arith.addi %mul3A_34, %add3A_37 : vector<16xi32>
        %add3A_39 = arith.constant 0 : i32
        %add3A_40 = vector.broadcast %add3A_39 : i32 to vector<16xi32>
        %add3A_41 = arith.addi %mul3A_31, %add3A_40 : vector<16xi32>
        %gather3A = tpu.vector_load_idx %arg5[%add3A_41] : memref<64xf32, #tpu.memory_space<vmem>>[vector<16xi32>], vector<16xf32>,
        %add3A_42 = arith.constant 0 : i32
        %add3A_43 = vector.broadcast %add3A_42 : i32 to vector<16xi32>
        %add3A_44 = arith.addi %add3A_38, %add3A_43 : vector<16xi32>
        tpu.vector_store_idx %arg7[%add3A_44], %gather3A : memref<32768xf32, #tpu.memory_space<vmem>>[vector<16xi32>], vector<16xf32>,
        %add3A_45 = arith.constant 1 : i32
        %add3A_46 = vector.broadcast %add3A_45 : i32 to vector<16xi32>
        %add3A_47 = arith.addi %mul3A_31, %add3A_46 : vector<16xi32>
        %gather3A_48 = tpu.vector_load_idx %arg5[%add3A_47] : memref<64xf32, #tpu.memory_space<vmem>>[vector<16xi32>], vector<16xf32>,
        %add3A_49 = arith.constant 1 : i32
        %add3A_50 = vector.broadcast %add3A_49 : i32 to vector<16xi32>
        %add3A_51 = arith.addi %add3A_38, %add3A_50 : vector<16xi32>
        tpu.vector_store_idx %arg7[%add3A_51], %gather3A_48 : memref<32768xf32, #tpu.memory_space<vmem>>[vector<16xi32>], vector<16xf32>,
        %add3A_52 = arith.constant 2 : i32
        %add3A_53 = vector.broadcast %add3A_52 : i32 to vector<16xi32>
        %add3A_54 = arith.addi %mul3A_31, %add3A_53 : vector<16xi32>
        %gather3A_55 = tpu.vector_load_idx %arg5[%add3A_54] : memref<64xf32, #tpu.memory_space<vmem>>[vector<16xi32>], vector<16xf32>,
        %add3A_56 = arith.constant 2 : i32
        %add3A_57 = vector.broadcast %add3A_56 : i32 to vector<16xi32>
        %add3A_58 = arith.addi %add3A_38, %add3A_57 : vector<16xi32>
        tpu.vector_store_idx %arg7[%add3A_58], %gather3A_55 : memref<32768xf32, #tpu.memory_space<vmem>>[vector<16xi32>], vector<16xf32>,
        %add3A_59 = arith.constant 3 : i32
        %add3A_60 = vector.broadcast %add3A_59 : i32 to vector<16xi32>
        %add3A_61 = arith.addi %mul3A_31, %add3A_60 : vector<16xi32>
        %gather3A_62 = tpu.vector_load_idx %arg5[%add3A_61] : memref<64xf32, #tpu.memory_space<vmem>>[vector<16xi32>], vector<16xf32>,
        %add3A_63 = arith.constant 3 : i32
        %add3A_64 = vector.broadcast %add3A_63 : i32 to vector<16xi32>
        %add3A_65 = arith.addi %add3A_38, %add3A_64 : vector<16xi32>
        tpu.vector_store_idx %arg7[%add3A_65], %gather3A_62 : memref<32768xf32, #tpu.memory_space<vmem>>[vector<16xi32>], vector<16xf32>,
        %add3A_66 = arith.constant 4 : i32
        %add3A_67 = vector.broadcast %add3A_66 : i32 to vector<16xi32>
        %add3A_68 = arith.addi %mul3A_31, %add3A_67 : vector<16xi32>
        %gather3A_69 = tpu.vector_load_idx %arg5[%add3A_68] : memref<64xf32, #tpu.memory_space<vmem>>[vector<16xi32>], vector<16xf32>,
        %add3A_70 = arith.constant 4 : i32
        %add3A_71 = vector.broadcast %add3A_70 : i32 to vector<16xi32>
        %add3A_72 = arith.addi %add3A_38, %add3A_71 : vector<16xi32>
        tpu.vector_store_idx %arg7[%add3A_72], %gather3A_69 : memref<32768xf32, #tpu.memory_space<vmem>>[vector<16xi32>], vector<16xf32>,
        %add3A_73 = arith.constant 5 : i32
        %add3A_74 = vector.broadcast %add3A_73 : i32 to vector<16xi32>
        %add3A_75 = arith.addi %mul3A_31, %add3A_74 : vector<16xi32>
        %gather3A_76 = tpu.vector_load_idx %arg5[%add3A_75] : memref<64xf32, #tpu.memory_space<vmem>>[vector<16xi32>], vector<16xf32>,
        %add3A_77 = arith.constant 5 : i32
        %add3A_78 = vector.broadcast %add3A_77 : i32 to vector<16xi32>
        %add3A_79 = arith.addi %add3A_38, %add3A_78 : vector<16xi32>
        tpu.vector_store_idx %arg7[%add3A_79], %gather3A_76 : memref<32768xf32, #tpu.memory_space<vmem>>[vector<16xi32>], vector<16xf32>,
        %add3A_80 = arith.constant 6 : i32
        %add3A_81 = vector.broadcast %add3A_80 : i32 to vector<16xi32>
        %add3A_82 = arith.addi %mul3A_31, %add3A_81 : vector<16xi32>
        %gather3A_83 = tpu.vector_load_idx %arg5[%add3A_82] : memref<64xf32, #tpu.memory_space<vmem>>[vector<16xi32>], vector<16xf32>,
        %add3A_84 = arith.constant 6 : i32
        %add3A_85 = vector.broadcast %add3A_84 : i32 to vector<16xi32>
        %add3A_86 = arith.addi %add3A_38, %add3A_85 : vector<16xi32>
        tpu.vector_store_idx %arg7[%add3A_86], %gather3A_83 : memref<32768xf32, #tpu.memory_space<vmem>>[vector<16xi32>], vector<16xf32>,
        %add3A_87 = arith.constant 7 : i32
        %add3A_88 = vector.broadcast %add3A_87 : i32 to vector<16xi32>
        %add3A_89 = arith.addi %mul3A_31, %add3A_88 : vector<16xi32>
        %gather3A_90 = tpu.vector_load_idx %arg5[%add3A_89] : memref<64xf32, #tpu.memory_space<vmem>>[vector<16xi32>], vector<16xf32>,
        %add3A_91 = arith.constant 7 : i32
        %add3A_92 = vector.broadcast %add3A_91 : i32 to vector<16xi32>
        %add3A_93 = arith.addi %add3A_38, %add3A_92 : vector<16xi32>
        tpu.vector_store_idx %arg7[%add3A_93], %gather3A_90 : memref<32768xf32, #tpu.memory_space<vmem>>[vector<16xi32>], vector<16xf32>,
        %add3A_94 = arith.constant 8 : i32
        %add3A_95 = vector.broadcast %add3A_94 : i32 to vector<16xi32>
        %add3A_96 = arith.addi %mul3A_31, %add3A_95 : vector<16xi32>
        %gather3A_97 = tpu.vector_load_idx %arg5[%add3A_96] : memref<64xf32, #tpu.memory_space<vmem>>[vector<16xi32>], vector<16xf32>,
        %add3A_98 = arith.constant 8 : i32
        %add3A_99 = vector.broadcast %add3A_98 : i32 to vector<16xi32>
        %add3A_100 = arith.addi %add3A_38, %add3A_99 : vector<16xi32>
        tpu.vector_store_idx %arg7[%add3A_100], %gather3A_97 : memref<32768xf32, #tpu.memory_space<vmem>>[vector<16xi32>], vector<16xf32>,
        %add3A_101 = arith.constant 9 : i32
        %add3A_102 = vector.broadcast %add3A_101 : i32 to vector<16xi32>
        %add3A_103 = arith.addi %mul3A_31, %add3A_102 : vector<16xi32>
        %gather3A_104 = tpu.vector_load_idx %arg5[%add3A_103] : memref<64xf32, #tpu.memory_space<vmem>>[vector<16xi32>], vector<16xf32>,
        %add3A_105 = arith.constant 9 : i32
        %add3A_106 = vector.broadcast %add3A_105 : i32 to vector<16xi32>
        %add3A_107 = arith.addi %add3A_38, %add3A_106 : vector<16xi32>
        tpu.vector_store_idx %arg7[%add3A_107], %gather3A_104 : memref<32768xf32, #tpu.memory_space<vmem>>[vector<16xi32>], vector<16xf32>,
        %add3A_108 = arith.constant 10 : i32
        %add3A_109 = vector.broadcast %add3A_108 : i32 to vector<16xi32>
        %add3A_110 = arith.addi %mul3A_31, %add3A_109 : vector<16xi32>
        %gather3A_111 = tpu.vector_load_idx %arg5[%add3A_110] : memref<64xf32, #tpu.memory_space<vmem>>[vector<16xi32>], vector<16xf32>,
        %add3A_112 = arith.constant 10 : i32
        %add3A_113 = vector.broadcast %add3A_112 : i32 to vector<16xi32>
        %add3A_114 = arith.addi %add3A_38, %add3A_113 : vector<16xi32>
        tpu.vector_store_idx %arg7[%add3A_114], %gather3A_111 : memref<32768xf32, #tpu.memory_space<vmem>>[vector<16xi32>], vector<16xf32>,
        %add3A_115 = arith.constant 11 : i32
        %add3A_116 = vector.broadcast %add3A_115 : i32 to vector<16xi32>
        %add3A_117 = arith.addi %mul3A_31, %add3A_116 : vector<16xi32>
        %gather3A_118 = tpu.vector_load_idx %arg5[%add3A_117] : memref<64xf32, #tpu.memory_space<vmem>>[vector<16xi32>], vector<16xf32>,
        %add3A_119 = arith.constant 11 : i32
        %add3A_120 = vector.broadcast %add3A_119 : i32 to vector<16xi32>
        %add3A_121 = arith.addi %add3A_38, %add3A_120 : vector<16xi32>
        tpu.vector_store_idx %arg7[%add3A_121], %gather3A_118 : memref<32768xf32, #tpu.memory_space<vmem>>[vector<16xi32>], vector<16xf32>,
        %add3A_122 = arith.constant 12 : i32
        %add3A_123 = vector.broadcast %add3A_122 : i32 to vector<16xi32>
        %add3A_124 = arith.addi %mul3A_31, %add3A_123 : vector<16xi32>
        %gather3A_125 = tpu.vector_load_idx %arg5[%add3A_124] : memref<64xf32, #tpu.memory_space<vmem>>[vector<16xi32>], vector<16xf32>,
        %add3A_126 = arith.constant 12 : i32
        %add3A_127 = vector.broadcast %add3A_126 : i32 to vector<16xi32>
        %add3A_128 = arith.addi %add3A_38, %add3A_127 : vector<16xi32>
        tpu.vector_store_idx %arg7[%add3A_128], %gather3A_125 : memref<32768xf32, #tpu.memory_space<vmem>>[vector<16xi32>], vector<16xf32>,
        %add3A_129 = arith.constant 13 : i32
        %add3A_130 = vector.broadcast %add3A_129 : i32 to vector<16xi32>
        %add3A_131 = arith.addi %mul3A_31, %add3A_130 : vector<16xi32>
        %gather3A_132 = tpu.vector_load_idx %arg5[%add3A_131] : memref<64xf32, #tpu.memory_space<vmem>>[vector<16xi32>], vector<16xf32>,
        %add3A_133 = arith.constant 13 : i32
        %add3A_134 = vector.broadcast %add3A_133 : i32 to vector<16xi32>
        %add3A_135 = arith.addi %add3A_38, %add3A_134 : vector<16xi32>
        tpu.vector_store_idx %arg7[%add3A_135], %gather3A_132 : memref<32768xf32, #tpu.memory_space<vmem>>[vector<16xi32>], vector<16xf32>,
        %add3A_136 = arith.constant 14 : i32
        %add3A_137 = vector.broadcast %add3A_136 : i32 to vector<16xi32>
        %add3A_138 = arith.addi %mul3A_31, %add3A_137 : vector<16xi32>
        %gather3A_139 = tpu.vector_load_idx %arg5[%add3A_138] : memref<64xf32, #tpu.memory_space<vmem>>[vector<16xi32>], vector<16xf32>,
        %add3A_140 = arith.constant 14 : i32
        %add3A_141 = vector.broadcast %add3A_140 : i32 to vector<16xi32>
        %add3A_142 = arith.addi %add3A_38, %add3A_141 : vector<16xi32>
        tpu.vector_store_idx %arg7[%add3A_142], %gather3A_139 : memref<32768xf32, #tpu.memory_space<vmem>>[vector<16xi32>], vector<16xf32>,
        %add3A_143 = arith.constant 15 : i32
        %add3A_144 = vector.broadcast %add3A_143 : i32 to vector<16xi32>
        %add3A_145 = arith.addi %mul3A_31, %add3A_144 : vector<16xi32>
        %gather3A_146 = tpu.vector_load_idx %arg5[%add3A_145] : memref<64xf32, #tpu.memory_space<vmem>>[vector<16xi32>], vector<16xf32>,
        %add3A_147 = arith.constant 15 : i32
        %add3A_148 = vector.broadcast %add3A_147 : i32 to vector<16xi32>
        %add3A_149 = arith.addi %add3A_38, %add3A_148 : vector<16xi32>
        tpu.vector_store_idx %arg7[%add3A_149], %gather3A_146 : memref<32768xf32, #tpu.memory_space<vmem>>[vector<16xi32>], vector<16xf32>,
        %scan3A_150 = arith.constant 0 : i32
        scf.yield %scan3A_150 : i32
      }
      %scan3A_20 = arith.constant 128 : i32
      %mul3A_21 = arith.constant 16 : i32
      %mul3A_22 = arith.muli %add3A_13, %mul3A_21 : i32
      "tpu.region"() ({
        %run_scoped3A = tpu.sem_alloc : memref<!tpu.dma_semaphore, #tpu.memory_space<semaphore_mem>>
        %dma_start3A = tpu.memref_slice %arg4[%mul3A_22] : memref<52428800xf32, #tpu.memory_space<hbm>> -> memref<32768xf32, #tpu.memory_space<hbm>>
        %dma_start3A_24 = tpu.memref_slice %arg4[%mul3A_22] : memref<52428800xf32, #tpu.memory_space<hbm>> -> memref<32768xf32, #tpu.memory_space<hbm>>
        tpu.enqueue_dma source(%arg7 : memref<32768xf32, #tpu.memory_space<vmem>>) target(%dma_start3A_24 : memref<32768xf32, #tpu.memory_space<hbm>>) target_semaphore(%run_scoped3A : memref<!tpu.dma_semaphore, #tpu.memory_space<semaphore_mem>>)
        %dma_wait3A = tpu.memref_slice %arg4[%mul3A_22] : memref<52428800xf32, #tpu.memory_space<hbm>> -> memref<32768xf32, #tpu.memory_space<hbm>>
        %dma_wait3A_25 = tpu.memref_slice %arg4[%mul3A_22] : memref<52428800xf32, #tpu.memory_space<hbm>> -> memref<32768xf32, #tpu.memory_space<hbm>>
        tpu.wait_dma2 semaphore(%run_scoped3A : memref<!tpu.dma_semaphore, #tpu.memory_space<semaphore_mem>>) src(%arg7 : memref<32768xf32, #tpu.memory_space<vmem>>) dst(%dma_wait3A_25 : memref<32768xf32, #tpu.memory_space<hbm>>)
        tpu.yield
      }) : () -> ()
      %scan3A_23 = arith.constant 0 : i32
      scf.yield %scan3A_23 : i32
    }
    %scan3A_8 = arith.constant 50 : i32
    return
  }
}

</mosaic_0001>

<sc_bundles>
// kernel: kernel.3.cloned.1.call-start
scs
__scs_entry_jumppad:
0x0: {  	(pc) =	sbr.rel $0x88, $3  }
0x1: {  	(tag) =	ssettag $0x0;
	lr =	simm.s32 $0x1  }
0x2: {  	[smem:$0x3F9F] =	sst lr;
	_ =	strace $0xD0000000  }
0x3: {  	_ = 	snop  }
0x4: {  	_ = 	snop  }
0x5: {  	_ = 	snop  }
0x6: {  	_ = 	snop  }
0x7: {  	_ = 	snop  }
__scs_overlays_trampoline_lowered:
0x8: {  	[smem:$0x3FAE] =	sst s0  }
0x9: {  	[smem:$0x3FAF] =	sst s1  }
0xa: {  	[smem:$0x3FB0] =	sst s2  }
0xb: {  	[smem:$0x3FB1] =	sst s3  }
0xc: {  	[smem:$0x3FB2] =	sst s4  }
0xd: {  	[smem:$0x3FB3] =	sst s5  }
0xe: {  	[smem:$0x3FB4] =	sst s6  }
0xf: {  	[smem:$0x3FB5] =	sst s7  }
0x10: {  	[smem:$0x3FB6] =	sst s8  }
0x11: {  	[smem:$0x3FB7] =	sst s9;
	s0 =	simm.s32 @!p0 $0x0  }
0x12: {  	s1 =	sld [smem:$0x3F9D];
	s0 =	simm.s32 @p0 $0x1  }
0x13: {  	[smem:$0x3FB8] =	sst s0;
	s0 =	simm.s32 @!p1 $0x0  }
0x14: {  	s2 =	sld [smem:$0x3F9C];
	s0 =	simm.s32 @p1 $0x1  }
0x15: {  	[smem:$0x3FB9] =	sst s0;
	s0 =	simm.s32 @!p2 $0x0  }
0x16: {  	s3 =	sld [smem:$0x3FDB];
	s0 =	simm.s32 @p2 $0x1  }
0x17: {  	s4 =	simm.s32 $0x1BF5;
	[smem:$0x3FBB] =	sst s0  }
0x18: {  	s0 =	sld [smem:$0x3F9E];
	_ =	swait.ge [sflag:s4], $0x0  }
0x19: {  	s7 =	sld [smem:$0x3F9F]  }
0x1a: {  	s8 =	sadd.s32 $0xFFFFE003, lr  }
0x1b: {  	s9 =	sadd.s32 $0xFFFFFEF7, lr;
	s5 =	simm.s32 $0xFFFFFFFF;
	p2 =	slt.u32 s8, $0xFFFFF086  }
0x1c: {  	p1 =	slt.u32 s9, $0xF7A;
	s5 =	simm.s32 @!p2 $0x0  }
0x1d: {  	s5 =	simm.s32 @p1 $0x1;
	p0 =	seq.s32 s7, s2  }
0x1e: {  	s7 =	smul.u32 @!p0 $0xF7A, s2;
	p2 =	seq.s32 @!p0 s5, $0x0  }
0x1f: {  	s9 =	smul.u32 $0xF7A, s1;
	s8 =	simm.s32 @!p0 $0x1BF5;
	p2 =	por !p2, p0  }
0x20: {  	[sflag:s8] =	ssyncset.s32 @!p0 $0xFFFFF086;
	s6 =	sadd.s32 @!p0 s3, s7;
	s7 =	simm.s32 @!p0 $0x108  }
0x21: {  	s3 =	sadd.s32 s3, s9;
	s6 =	sadd.s32 @!p0 $0x88, s6;
	s7 =	simm.s32 @p2 $0x1082  }
0x22: {  	[simem:s7], [sflag:s8] =	dma.local @!p0 [hbm:s6], $0xF7A  }
0x23: {  	s9 =	sor.u32 $0xD0000000, s2;
	s6 =	simm.s32 $0x108;
	_ =	swait.ge @!p0 [sflag:s8], $0x0  }
0x24: {  	s3 =	sadd.s32 $0x88, s3;
	s6 =	simm.s32 @!p1 $0x1082;
	[sflag:s4] =	ssyncset.s32 $0xFFFFF086  }
0x25: {  	[simem:s6], [sflag:s4] =	dma.local [hbm:s3], $0xF7A  }
0x26: {  	[smem:$0x3F9F] =	sst s1;
	(tag) =	ssettag s2;
	_ =	strace s9  }
0x27: {  	s1 =	sld [smem:$0x3FAF]  }
0x28: {  	s2 =	sld [smem:$0x3FB0]  }
0x29: {  	s4 =	sld [smem:$0x3FB2]  }
0x2a: {  	p0 =	seq.s32 s5, $0x0;
	s5 =	sld [smem:$0x3FB3]  }
0x2b: {  	s6 =	sld [smem:$0x3FB4]  }
0x2c: {  	s7 =	sld [smem:$0x3FB5]  }
0x2d: {  	s3 =	simm.s32 $0x108;
	s8 =	sld [smem:$0x3FB6]  }
0x2e: {  	s3 =	simm.s32 @!p0 $0x1082;
	s9 =	sld [smem:$0x3FB7]  }
0x2f: {  	lr =	sadd.s32 s0, s3;
	s0 =	sld [smem:$0x3FAE]  }
0x30: {  	s3 =	sld [smem:$0x3FB1]  }
0x31: {  	[smem:$0x3FBA] =	sst s10  }
0x32: {  	s10 =	sld [smem:$0x3FB8];
	_ =	sdelay $0x3  }
0x33: {  	p0 =	seq.s32 s10, $0x1;
	s10 =	sld [smem:$0x3FBA];
	_ =	sdelay $0x3  }
0x34: {  	[smem:$0x3FBA] =	sst s10  }
0x35: {  	s10 =	sld [smem:$0x3FB9];
	_ =	sdelay $0x3  }
0x36: {  	p1 =	seq.s32 s10, $0x1;
	s10 =	sld [smem:$0x3FBA];
	_ =	sdelay $0x3  }
0x37: {  	[smem:$0x3FBA] =	sst s10  }
0x38: {  	s10 =	sld [smem:$0x3FBB]  }
0x39: {  	_ = 	snop;
	(pc) =	sbr.ind lr, $3  }
0x3a: {  	_ = 	snop  }
0x3b: {  	_ = 	snop  }
0x3c: {  	p2 =	seq.s32 s10, $0x1;
	s10 =	sld [smem:$0x3FBA]  }
0x3d: {  	_ =	shalt  }
0x3e: {  	_ =	shalt  }
0x3f: {  	_ =	shalt  }
0x40: {  	_ =	shalt  }
0x41: {  	_ =	shalt  }
0x42: {  	_ =	shalt  }
0x43: {  	_ =	shalt  }
0x44: {  	_ =	shalt  }
0x45: {  	_ =	shalt  }
0x46: {  	_ =	shalt  }
0x47: {  	_ =	shalt  }
0x48: {  	_ =	shalt  }
0x49: {  	_ =	shalt  }
0x4a: {  	_ =	shalt  }
0x4b: {  	_ =	shalt  }
0x4c: {  	_ =	shalt  }
0x4d: {  	_ =	shalt  }
0x4e: {  	_ =	shalt  }
0x4f: {  	_ =	shalt  }
0x50: {  	_ =	shalt  }
0x51: {  	_ =	shalt  }
0x52: {  	_ =	shalt  }
0x53: {  	_ =	shalt  }
0x54: {  	_ =	shalt  }
0x55: {  	_ =	shalt  }
0x56: {  	_ =	shalt  }
0x57: {  	_ =	shalt  }
0x58: {  	_ =	shalt  }
0x59: {  	_ =	shalt  }
0x5a: {  	_ =	shalt  }
0x5b: {  	_ =	shalt  }
0x5c: {  	_ =	shalt  }
0x5d: {  	_ =	shalt  }
0x5e: {  	_ =	shalt  }
0x5f: {  	_ =	shalt  }
0x60: {  	_ =	shalt  }
0x61: {  	_ =	shalt  }
0x62: {  	_ =	shalt  }
0x63: {  	_ =	shalt  }
0x64: {  	_ =	shalt  }
0x65: {  	_ =	shalt  }
0x66: {  	_ =	shalt  }
0x67: {  	_ =	shalt  }
0x68: {  	_ =	shalt  }
0x69: {  	_ =	shalt  }
0x6a: {  	_ =	shalt  }
0x6b: {  	_ =	shalt  }
0x6c: {  	_ =	shalt  }
0x6d: {  	_ =	shalt  }
0x6e: {  	_ =	shalt  }
0x6f: {  	_ =	shalt  }
0x70: {  	_ =	shalt  }
0x71: {  	_ =	shalt  }
0x72: {  	_ =	shalt  }
0x73: {  	_ =	shalt  }
0x74: {  	_ =	shalt  }
0x75: {  	_ =	shalt  }
0x76: {  	_ =	shalt  }
0x77: {  	_ =	shalt  }
0x78: {  	_ =	shalt  }
0x79: {  	_ =	shalt  }
0x7a: {  	_ =	shalt  }
0x7b: {  	_ =	shalt  }
0x7c: {  	_ =	shalt  }
0x7d: {  	_ =	shalt  }
0x7e: {  	_ =	shalt  }
0x7f: {  	_ =	shalt  }
0x80: {  	_ =	shalt  }
0x81: {  	_ =	shalt  }
0x82: {  	_ =	shalt  }
0x83: {  	_ =	shalt  }
0x84: {  	_ =	shalt  }
0x85: {  	_ =	shalt  }
0x86: {  	_ =	shalt  }
0x87: {  	_ =	shalt  }
.Lfunc_end0:
.L_simem_size_0:
called_computation.1_lowered:
.L_overlay_start_0:
0x88: {  	s2 =	sld [smem:$0x3FD9]  }
0x89: {  	s3 =	sld [smem:$0x3FFE];
	_ =	sdelay $0x1  }
0x8a: {  	s1 =	srdreg.scid  }
0x8b: {  	s0 =	sand.u32 $0x1, s1  }
0x8c: {  	s17 =	sshll.u32 s0, $0xA;
	s2 =	sadd.s32 s3, s2  }
0x8d: {  	s2 =	sadd.s32 s2, s17  }
0x8e: {  	[smem:$0x3FC6] =	sst s2  }
0x8f: {  	_ = 	snop  }
0x90: {  	s2 =	sld [smem:$0x3FD0];
	(tm) =	ssettm $0x1  }
0x91: {  	s18 =	sld [smem:$0x3FFB];
	_ =	sdelay $0x3  }
0x92: {  	_ =	strace s18  }
0x93: {  	s3 =	sld [smem:$0x3FFC];
	_ =	sdelay $0x3  }
0x94: {  	_ =	strace s3  }
0x95: {  	s3 =	sld [smem:$0x3FFD];
	_ =	sdelay $0x3  }
0x96: {  	_ =	strace s3  }
0x97: {  	_ =	strace $0x8FFFFFFF  }
0x98: {  	s19 =	sld [smem:$0x3FDB];
	_ =	sdelay $0x1  }
0x99: {  	s4 =	simm.s32 $_scs_section_size  }
0x9a: {  	s5 =	simm.s32 $_size__tile_overlayer_lowered;
	s6 =	simm.s32 $_tile_overlayer_lowered  }
0x9b: {  	s22 =	simm.s32 $0x1BFF;
	s21 =	sshll.u32 s6, $0x1;
	s3 =	sadd.s32 s4, s19  }
0x9c: {  	s7 =	simm.s32 $0x0;
	s20 =	sshll.u32 s5, $0x1;
	s5 =	sadd.s32 s21, s3  }
0x9d: {  	[timem:s7], [sflag:s22] =	dma.local [hbm:s5], s20  }
0x9e: {  	_ =	swait.ge [sflag:s22], s20  }
0x9f: {  	s4 =	ssub.s32 $0x0, s20;
	[sflag:s22] =	ssyncset.done $0x0  }
0xa0: {  	[sflag:s22] =	ssyncadd.s32 s4;
	_ =	sdelay $0x1  }
0xa1: {  	s23 =	simm.s32 $0x1B8B  }
0xa2: {  	_ =	swait.ge [sflag:s23], $0x1  }
0xa3: {  	[sflag:s23] =	ssyncset.done $0x0  }
0xa4: {  	s25 =	simm.s32 $0x1B8E;
	s24 =	sld [smem:$0x3FFE];
	[sflag:s23] =	ssyncadd.s32 $0xFFFFFFFF  }
0xa5: {  	s26 =	simm.s32 $execute0_lowered;
	[smem:$0x3FD2] =	sst s25  }
0xa6: {  	s5 =	sshll.u32 s26, $0x1;
	_ =	strace $0x80000046;
	[dreg:$0x1] =	wrdreg $0xFFFFFFFF  }
0xa7: {  	s28 =	simm.s32 $_size_execute0_lowered;
	s3 =	sadd.s32 s3, s5;
	[dreg:$0x0] =	wrdreg $0x0  }
0xa8: {  	s5 =	sshll.u32 s28, $0x1;
	[dreg:$0x2] =	wrdreg s3  }
0xa9: {  	[dreg:$0x3] =	wrdreg s5  }
0xaa: {  	[dreg:$0x4] =	wrdreg $0xC0  }
0xab: {  	_ =	task [dreg:s7], $0x5FFFF  }
0xac: {  	[dreg:$0x1] =	wrdreg $0xFFFFFFFF  }
0xad: {  	[dreg:$0x0] =	wrdreg $0x60  }
0xae: {  	[dreg:$0x2] =	wrdreg s24  }
0xaf: {  	[dreg:$0x3] =	wrdreg s2  }
0xb0: {  	[dreg:$0x4] =	wrdreg $0x9  }
0xb1: {  	_ =	task.clear_ibuf [dreg:s7], $0x5FFFF;
	_ =	strace $0x90000046  }
0xb2: {  	s29 =	simm.s32 $0x9;
	_ =	strace $0x80000048  }
0xb3: {  	_ =	swait.ge [sflag:s29], $0x1  }
0xb4: {  	[sflag:s29] =	ssyncadd.s32 $0xFFFFFFFF  }
0xb5: {  	_ =	strace $0x90000048  }
0xb6: {  	_ =	sfence  }
0xb7: {  	s30 =	sld [smem:$0x0];
	_ =	sdelay $0x2  }
0xb8: {  	s31 =	sshll.u32 s1, $0xD;
	s1 =	sshrl.u32 s1, $0x2  }
0xb9: {  	s3 =	sand.u32 $0x4000, s31;
	s1 =	sadd.s32 s1, s30  }
0xba: {  	s0 =	sor.u32 s3, s0;
	s1 =	sshll.u32 s1, $0x11  }
0xbb: {  	s0 =	sor.u32 s1, s0  }
0xbc: {  	s0 =	sadd.s32 $0x8F2B, s0  }
0xbd: {  	[sflag:s0] =	ssyncadd.remote.s32 $0x1  }
0xbe: {  	_ =	sfence.sel $0xFFFF  }
0xbf: {  	[dreg:$0x0] =	wrdreg $0xFFFFFFFF;
	(pc) =	sbr.abs _section_cstart, $3  }
0xc0: {  	[dreg:$0x1] =	wrdreg $0xFFFFFFFF  }
0xc1: {  	_ =	task.clear_ibuf [dreg:s7], $0x2FFFF;
	_ =	strace $0x9FFFFFFF  }
0xc2: {  	(tm) =	ssettm $0x7FFFFFFF  }
0xc3: {  	_ =	shalt  }
tec
execute0_lowered:
.L_overlay_start_1:
0x0: {  	(tag) =	ssettag $0x1  }
0x1: {  	v0 =	vlaneseq.u32  }
0x2: {  	s5 =	rddreg [dreg:$0x0];
	v1 =	vand.u32 $0x7, v0;
	v0 =	vmul.u32 $0x10, v0  }
0x3: {  	s1 =	rddreg [dreg:$0x1];
	s2 =	srdreg.scid  }
0x4: {  	s0 =	rddreg [dreg:$0x2];
	s3 =	simm.s32 $0x0;
	s10 =	simm.s32 $0x0;
	v1 =	vmul.u32 $0x10, v1;
	v2 =	vor.u32 $0x1, v0  }
0x5: {  	s6 =	sand.u32 $0x1, s2;
	[smem:$0x7FF] =	sst s3;
	s2 =	stileid.u32;
	v3 =	vor.u32 $0x2, v0;
	v4 =	vor.u32 $0x3, v0;
	v5 =	vor.u32 $0x4, v0  }
0x6: {  	s4 =	sadd.s32 $0xA00, s5;
	s5 =	sadd.s32 $0x800, s5;
	s7 =	ssub.s32 $0x2, s6;
	v6 =	vor.u32 $0x5, v0;
	v7 =	vor.u32 $0x6, v0;
	v8 =	vor.u32 $0x7, v0  }
0x7: {  	_ =	strace $0x80000047;
	s9 =	sshll.u32 s2, $0x1;
	s8 =	sshrl.u32 s7, $0x1;
	v9 =	vor.u32 $0x8, v0;
	v10 =	vor.u32 $0x9, v0;
	v11 =	vor.u32 $0xA, v0  }
0x8: {  	s6 =	sor.u32 s6, s9;
	v12 =	vor.u32 $0xB, v0;
	v13 =	vor.u32 $0xC, v0;
	s9 =	simm.s32 $0x880;
	v14 =	vor.u32 $0xD, v0;
	s7 =	ssub.s32 s7, s8  }
0x9: {  	v15 =	vor.u32 $0xE, v0;
	v16 =	vor.u32 $0xF, v0;
	v1 =	vor.u32 $0xFFFFFF80, v1;
	s6 =	smul.u32 $0x19000, s6;
	s8 =	simm.s32 $0x1;
	s7 =	smax.u32 s7, $0x1  }
.LBB2_1:
0xa: {  	[tilespmem:s3], [sflag:$0x1] =	stream.linear.gather [hbm4b:s5+s3], $0x80, $0x38;
	[tilespmem:$0x8880] =	vst v63  }
0xb: {  	_ =	swait.ge [sflag:s8], $0x80  }
0xc: {  	[sflag:s8] =	ssyncset.done $0x0  }
0xd: {  	s11 =	simm.s32 $0x0;
	[sflag:s8] =	ssyncadd.s32 $0xFFFFFF80  }
.LBB2_2:
0xe: {  	s12 =	sshll.u32 s11, $0xB  }
0xf: {  	s12 =	sadd.s32 s6, s12  }
0x10: {  	s13 =	sshrl.u32 s12, $0x3  }
0x11: {  	s15 =	simm.s32 $0x0;
	s14 =	sadd.s32 s4, s13;
	s13 =	simm.s32 $0x80  }
0x12: {  	[tilespmem:s13], [sflag:$0x1] =	stream.linear.gather [hbm4b:s14+s15], $0x800, $0x38;
	[tilespmem:$0x8880] =	vst v63  }
0x13: {  	_ =	swait.ge [sflag:s8], $0x800  }
0x14: {  	[sflag:s8] =	ssyncset.done $0x0  }
0x15: {  	[sflag:s8] =	ssyncadd.s32 $0xFFFFF800  }
0x16: {  	v17 =	vld [tilespmem:s13+$0x0];
	_ =	sdelay $0x4  }
0x17: {  	v17 =	vshll.u32 v17, $0x4;
	_ =	sdelay $0x3  }
0x18: {  	v18 =	vor.u32 s15, v0  }
0x19: {  	v18 =	vand.u32 v1, v18;
	v19 =	vld.idx.msk [tilespmem:v17+s3+$0x0], $0xffff  }
0x1a: {  	v20 =	vor.u32 $0x1, v17;
	_ =	sdelay $0x3  }
0x1b: {  	[tilespmem:v18+s9+$0x0] =	vst.idx.msk $0xffff, v19  }
0x1c: {  	v19 =	vor.u32 s15, v2;
	v18 =	vld.idx.msk [tilespmem:v20+s3+$0x0], $0xffff  }
0x1d: {  	v20 =	vor.u32 $0x2, v17;
	_ =	sdelay $0x3  }
0x1e: {  	[tilespmem:v19+s9+$0x0] =	vst.idx.msk $0xffff, v18  }
0x1f: {  	v19 =	vor.u32 s15, v3;
	v18 =	vld.idx.msk [tilespmem:v20+s3+$0x0], $0xffff  }
0x20: {  	v20 =	vor.u32 $0x3, v17;
	_ =	sdelay $0x3  }
0x21: {  	[tilespmem:v19+s9+$0x0] =	vst.idx.msk $0xffff, v18  }
0x22: {  	v19 =	vor.u32 s15, v4;
	v18 =	vld.idx.msk [tilespmem:v20+s3+$0x0], $0xffff  }
0x23: {  	v20 =	vor.u32 $0x4, v17;
	_ =	sdelay $0x3  }
0x24: {  	[tilespmem:v19+s9+$0x0] =	vst.idx.msk $0xffff, v18  }
0x25: {  	v19 =	vor.u32 s15, v5;
	v18 =	vld.idx.msk [tilespmem:v20+s3+$0x0], $0xffff  }
0x26: {  	v20 =	vor.u32 $0x5, v17;
	_ =	sdelay $0x3  }
0x27: {  	[tilespmem:v19+s9+$0x0] =	vst.idx.msk $0xffff, v18  }
0x28: {  	v19 =	vor.u32 s15, v6;
	v18 =	vld.idx.msk [tilespmem:v20+s3+$0x0], $0xffff  }
0x29: {  	v20 =	vor.u32 $0x6, v17;
	_ =	sdelay $0x3  }
0x2a: {  	[tilespmem:v19+s9+$0x0] =	vst.idx.msk $0xffff, v18  }
0x2b: {  	v19 =	vor.u32 s15, v7;
	v18 =	vld.idx.msk [tilespmem:v20+s3+$0x0], $0xffff  }
0x2c: {  	v20 =	vor.u32 $0x7, v17;
	_ =	sdelay $0x3  }
0x2d: {  	[tilespmem:v19+s9+$0x0] =	vst.idx.msk $0xffff, v18  }
0x2e: {  	v19 =	vor.u32 s15, v8;
	v18 =	vld.idx.msk [tilespmem:v20+s3+$0x0], $0xffff  }
0x2f: {  	v20 =	vor.u32 $0x8, v17;
	_ =	sdelay $0x3  }
0x30: {  	[tilespmem:v19+s9+$0x0] =	vst.idx.msk $0xffff, v18  }
0x31: {  	v19 =	vor.u32 s15, v9;
	v18 =	vld.idx.msk [tilespmem:v20+s3+$0x0], $0xffff  }
0x32: {  	v20 =	vor.u32 $0x9, v17;
	_ =	sdelay $0x3  }
0x33: {  	[tilespmem:v19+s9+$0x0] =	vst.idx.msk $0xffff, v18  }
0x34: {  	v19 =	vor.u32 s15, v10;
	v18 =	vld.idx.msk [tilespmem:v20+s3+$0x0], $0xffff  }
0x35: {  	v20 =	vor.u32 $0xA, v17;
	_ =	sdelay $0x3  }
0x36: {  	[tilespmem:v19+s9+$0x0] =	vst.idx.msk $0xffff, v18  }
0x37: {  	v19 =	vor.u32 s15, v11;
	v18 =	vld.idx.msk [tilespmem:v20+s3+$0x0], $0xffff  }
0x38: {  	v20 =	vor.u32 $0xB, v17;
	_ =	sdelay $0x3  }
0x39: {  	[tilespmem:v19+s9+$0x0] =	vst.idx.msk $0xffff, v18  }
0x3a: {  	v19 =	vor.u32 s15, v12;
	v18 =	vld.idx.msk [tilespmem:v20+s3+$0x0], $0xffff  }
0x3b: {  	v20 =	vor.u32 $0xC, v17;
	_ =	sdelay $0x3  }
0x3c: {  	[tilespmem:v19+s9+$0x0] =	vst.idx.msk $0xffff, v18  }
0x3d: {  	v19 =	vor.u32 s15, v13;
	v18 =	vld.idx.msk [tilespmem:v20+s3+$0x0], $0xffff  }
0x3e: {  	v20 =	vor.u32 $0xD, v17;
	_ =	sdelay $0x3  }
0x3f: {  	[tilespmem:v19+s9+$0x0] =	vst.idx.msk $0xffff, v18  }
0x40: {  	v19 =	vor.u32 s15, v14;
	v18 =	vld.idx.msk [tilespmem:v20+s3+$0x0], $0xffff  }
0x41: {  	v20 =	vor.u32 $0xE, v17;
	_ =	sdelay $0x3  }
0x42: {  	[tilespmem:v19+s9+$0x0] =	vst.idx.msk $0xffff, v18  }
0x43: {  	v19 =	vor.u32 s15, v15;
	v18 =	vld.idx.msk [tilespmem:v20+s3+$0x0], $0xffff  }
0x44: {  	v17 =	vor.u32 $0xF, v17;
	_ =	sdelay $0x3  }
0x45: {  	[tilespmem:v19+s9+$0x0] =	vst.idx.msk $0xffff, v18  }
0x46: {  	s14 =	simm.s32 $0x100;
	v18 =	vor.u32 s15, v16;
	v17 =	vld.idx.msk [tilespmem:v17+s3+$0x0], $0xffff  }
.LBB2_3:
0x47: {  	_ =	sdelay $0x2  }
0x48: {  	p0 =	sne.s32 s14, $0x7F00  }
0x49: {  	s13 =	sadd.s32 $0x10, s13;
	s15 =	smov.u32 s14;
	s14 =	sadd.s32 $0x100, s14;
	[tilespmem:v18+s9+$0x0] =	vst.idx.msk $0xffff, v17  }
0x4a: {  	v17 =	vld [tilespmem:s13+$0x0];
	_ =	sdelay $0x4  }
0x4b: {  	v17 =	vshll.u32 v17, $0x4;
	_ =	sdelay $0x4  }
0x4c: {  	v18 =	vor.u32 s15, v0;
	v19 =	vld.idx.msk [tilespmem:v17+s3+$0x0], $0xffff  }
0x4d: {  	v18 =	vand.u32 v1, v18  }
0x4e: {  	v20 =	vor.u32 $0x1, v17;
	_ =	sdelay $0x3  }
0x4f: {  	[tilespmem:v18+s9+$0x0] =	vst.idx.msk $0xffff, v19  }
0x50: {  	v18 =	vld.idx.msk [tilespmem:v20+s3+$0x0], $0xffff  }
0x51: {  	v19 =	vor.u32 s15, v2  }
0x52: {  	v20 =	vor.u32 $0x2, v17;
	_ =	sdelay $0x3  }
0x53: {  	[tilespmem:v19+s9+$0x0] =	vst.idx.msk $0xffff, v18  }
0x54: {  	v18 =	vld.idx.msk [tilespmem:v20+s3+$0x0], $0xffff  }
0x55: {  	v19 =	vor.u32 s15, v3  }
0x56: {  	v20 =	vor.u32 $0x3, v17;
	_ =	sdelay $0x3  }
0x57: {  	[tilespmem:v19+s9+$0x0] =	vst.idx.msk $0xffff, v18  }
0x58: {  	v18 =	vld.idx.msk [tilespmem:v20+s3+$0x0], $0xffff  }
0x59: {  	v19 =	vor.u32 s15, v4  }
0x5a: {  	v20 =	vor.u32 $0x4, v17;
	_ =	sdelay $0x3  }
0x5b: {  	[tilespmem:v19+s9+$0x0] =	vst.idx.msk $0xffff, v18  }
0x5c: {  	v18 =	vld.idx.msk [tilespmem:v20+s3+$0x0], $0xffff  }
0x5d: {  	v19 =	vor.u32 s15, v5  }
0x5e: {  	v20 =	vor.u32 $0x5, v17;
	_ =	sdelay $0x3  }
0x5f: {  	[tilespmem:v19+s9+$0x0] =	vst.idx.msk $0xffff, v18  }
0x60: {  	v18 =	vld.idx.msk [tilespmem:v20+s3+$0x0], $0xffff  }
0x61: {  	v19 =	vor.u32 s15, v6  }
0x62: {  	v20 =	vor.u32 $0x6, v17;
	_ =	sdelay $0x3  }
0x63: {  	[tilespmem:v19+s9+$0x0] =	vst.idx.msk $0xffff, v18  }
0x64: {  	v18 =	vld.idx.msk [tilespmem:v20+s3+$0x0], $0xffff  }
0x65: {  	v19 =	vor.u32 s15, v7  }
0x66: {  	v20 =	vor.u32 $0x7, v17;
	_ =	sdelay $0x3  }
0x67: {  	[tilespmem:v19+s9+$0x0] =	vst.idx.msk $0xffff, v18  }
0x68: {  	v18 =	vld.idx.msk [tilespmem:v20+s3+$0x0], $0xffff  }
0x69: {  	v19 =	vor.u32 s15, v8  }
0x6a: {  	v20 =	vor.u32 $0x8, v17;
	_ =	sdelay $0x3  }
0x6b: {  	[tilespmem:v19+s9+$0x0] =	vst.idx.msk $0xffff, v18  }
0x6c: {  	v18 =	vld.idx.msk [tilespmem:v20+s3+$0x0], $0xffff  }
0x6d: {  	v19 =	vor.u32 s15, v9  }
0x6e: {  	v20 =	vor.u32 $0x9, v17;
	_ =	sdelay $0x3  }
0x6f: {  	[tilespmem:v19+s9+$0x0] =	vst.idx.msk $0xffff, v18  }
0x70: {  	v18 =	vld.idx.msk [tilespmem:v20+s3+$0x0], $0xffff  }
0x71: {  	v19 =	vor.u32 s15, v10  }
0x72: {  	v20 =	vor.u32 $0xA, v17;
	_ =	sdelay $0x3  }
0x73: {  	[tilespmem:v19+s9+$0x0] =	vst.idx.msk $0xffff, v18  }
0x74: {  	v18 =	vld.idx.msk [tilespmem:v20+s3+$0x0], $0xffff  }
0x75: {  	v19 =	vor.u32 s15, v11  }
0x76: {  	v20 =	vor.u32 $0xB, v17;
	_ =	sdelay $0x3  }
0x77: {  	[tilespmem:v19+s9+$0x0] =	vst.idx.msk $0xffff, v18  }
0x78: {  	v18 =	vld.idx.msk [tilespmem:v20+s3+$0x0], $0xffff  }
0x79: {  	v19 =	vor.u32 s15, v12  }
0x7a: {  	v20 =	vor.u32 $0xC, v17;
	_ =	sdelay $0x3  }
0x7b: {  	[tilespmem:v19+s9+$0x0] =	vst.idx.msk $0xffff, v18  }
0x7c: {  	v18 =	vld.idx.msk [tilespmem:v20+s3+$0x0], $0xffff  }
0x7d: {  	v19 =	vor.u32 s15, v13  }
0x7e: {  	v20 =	vor.u32 $0xD, v17;
	_ =	sdelay $0x3  }
0x7f: {  	[tilespmem:v19+s9+$0x0] =	vst.idx.msk $0xffff, v18  }
0x80: {  	v18 =	vld.idx.msk [tilespmem:v20+s3+$0x0], $0xffff  }
0x81: {  	v19 =	vor.u32 s15, v14  }
0x82: {  	v20 =	vor.u32 $0xE, v17;
	_ =	sdelay $0x3  }
0x83: {  	[tilespmem:v19+s9+$0x0] =	vst.idx.msk $0xffff, v18  }
0x84: {  	v18 =	vld.idx.msk [tilespmem:v20+s3+$0x0], $0xffff  }
0x85: {  	v19 =	vor.u32 s15, v15  }
0x86: {  	v17 =	vor.u32 $0xF, v17;
	_ =	sdelay $0x1  }
.Ltmp0:
0x87: {  	(pc) =	sbr.rel @p0 .LBB2_3-.Ltmp0, $4  }
0x88: {  	_ = 	snop  }
0x89: {  	[tilespmem:v19+s9+$0x0] =	vst.idx.msk $0xffff, v18  }
0x8a: {  	v17 =	vld.idx.msk [tilespmem:v17+s3+$0x0], $0xffff  }
0x8b: {  	v18 =	vor.u32 s15, v16  }
0x8c: {  	_ =	sdelay $0x1  }
0x8d: {  	s11 =	sadd.s32 $0x1, s11  }
0x8e: {  	s12 =	sshll.u32 s12, $0x1;
	p0 =	sne.s32 s11, $0x32  }
.Ltmp1:
0x8f: {  	s12 =	sadd.s32 s1, s12;
	[tilespmem:v18+s9+$0x0] =	vst.idx.msk $0xffff, v17;
	(pc) =	sbr.rel @p0 .LBB2_2-.Ltmp1, $4  }
0x90: {  	[hbm4b:s12+s3] =	stream.linear.scatter [tilespmem:s9], [sflag:$0x1], $0x8000, $0x38;
	[tilespmem:$0x8880] =	vst v63  }
0x91: {  	_ =	swait.ge [sflag:s8], $0x8000  }
0x92: {  	[sflag:s8] =	ssyncset.done $0x0  }
0x93: {  	[sflag:s8] =	ssyncadd.s32 $0xFFFF8000  }
0x94: {  	s10 =	sadd.s32 $0x1, s10  }
0x95: {  	p0 =	sne.s32 s10, s7  }
.Ltmp2:
0x96: {  	_ = 	snop;
	(pc) =	sbr.rel @p0 .LBB2_1-.Ltmp2, $1  }
0x97: {  	_ =	sdelay $0x3  }
0x98: {  	_ =	sfence.sel $0x180000  }
0x99: {  	[bflag:$0x0] =	sbarrier.arrive $0xFFFF  }
0x9a: {  	p0 =	sne.s32 s2, $0x0;
	_ =	strace $0x90000047  }
0x9b: {  	s0 =	sadd.s32 @!p0 $0x100000, s0;
	[bflag:$0x2] =	sbarrier.arrive $0xFFFF  }
0x9c: {  	[sflag:s0] =	ssyncadd.tile.s32 @!p0 $0x1;
	_ =	shalt  }
.Lfunc_end2:
_tile_overlayer_lowered:
.L_overlay_start_2:
0x9d: {  	(tag) =	ssettag $0x2  }
0x9e: {  	s0 =	rddreg [dreg:$0x0];
	s2 =	stileid.u32  }
0x9f: {  	s1 =	rddreg [dreg:$0x1];
	p0 =	sne.s32 s2, $0x0  }
0xa0: {  	s3 =	rddreg [dreg:$0x2];
	[bflag:$0x3] =	sbarrier.arrive $0xFFFF;
	s2 =	simm.s32 @!p0 $0x1C01  }
0xa1: {  	[timem:s3], [sflag:s2] =	dma.local @!p0 [hbm:s0], s1  }
0xa2: {  	s0 =	simm.s32 @!p0 $0x1  }
0xa3: {  	_ =	swait.ge @!p0 [sflag:s0], s1  }
0xa4: {  	s1 =	ssub.s32 @!p0 $0x0, s1;
	[sflag:s0] =	ssyncset.done @!p0 $0x0  }
0xa5: {  	[sflag:s0] =	ssyncadd.s32 @!p0 s1  }
0xa6: {  	[bflag:$0x3] =	sbarrier.arrive $0xFFFF  }
0xa7: {  	_ =	shalt  }

// kernel: sparse-core-data-format-call.cloned.1.call-start
scs
called_computation_lowered:
.L_overlay_start_0:
0x0: {  	s2 =	sld [smem:$0x3FD9]  }
0x1: {  	s3 =	sld [smem:$0x3FFE];
	_ =	sdelay $0x1  }
0x2: {  	s1 =	srdreg.scid  }
0x3: {  	s0 =	sand.u32 $0x1, s1  }
0x4: {  	s18 =	sshll.u32 s0, $0xA;
	s2 =	sadd.s32 s3, s2  }
0x5: {  	s2 =	sadd.s32 s2, s18  }
0x6: {  	[smem:$0x3FC6] =	sst s2  }
0x7: {  	_ = 	snop  }
0x8: {  	s2 =	sld [smem:$0x3FD0];
	(tm) =	ssettm $0x1  }
0x9: {  	s19 =	sld [smem:$0x3FFB];
	_ =	sdelay $0x3  }
0xa: {  	_ =	strace s19  }
0xb: {  	s3 =	sld [smem:$0x3FFC];
	_ =	sdelay $0x3  }
0xc: {  	_ =	strace s3  }
0xd: {  	s3 =	sld [smem:$0x3FFD];
	_ =	sdelay $0x3  }
0xe: {  	_ =	strace s3  }
0xf: {  	_ =	strace $0x8FFFFFFF  }
0x10: {  	s20 =	sld [smem:$0x3FDB];
	_ =	sdelay $0x1  }
0x11: {  	s4 =	simm.s32 $_scs_section_size  }
0x12: {  	s5 =	simm.s32 $_size__tile_overlayer_lowered;
	s6 =	simm.s32 $_tile_overlayer_lowered  }
0x13: {  	s23 =	simm.s32 $0x1BFF;
	s22 =	sshll.u32 s6, $0x1;
	s3 =	sadd.s32 s4, s20  }
0x14: {  	s7 =	simm.s32 $0x0;
	s21 =	sshll.u32 s5, $0x1;
	s5 =	sadd.s32 s22, s3  }
0x15: {  	[timem:s7], [sflag:s23] =	dma.local [hbm:s5], s21  }
0x16: {  	_ =	swait.ge [sflag:s23], s21  }
0x17: {  	s4 =	ssub.s32 $0x0, s21;
	[sflag:s23] =	ssyncset.done $0x0  }
0x18: {  	[sflag:s23] =	ssyncadd.s32 s4;
	_ =	sdelay $0x1  }
0x19: {  	s24 =	simm.s32 $0x1B8B  }
0x1a: {  	_ =	swait.ge [sflag:s24], $0x1  }
0x1b: {  	[sflag:s24] =	ssyncset.done $0x0  }
0x1c: {  	s26 =	simm.s32 $0x1B8E;
	s25 =	sld [smem:$0x3FFE];
	[sflag:s24] =	ssyncadd.s32 $0xFFFFFFFF  }
0x1d: {  	s27 =	simm.s32 $execute0_lowered;
	[smem:$0x3FD2] =	sst s26  }
0x1e: {  	s5 =	sshll.u32 s27, $0x1;
	_ =	strace $0x80000049;
	[dreg:$0x1] =	wrdreg $0xFFFFFFFF  }
0x1f: {  	s28 =	simm.s32 $_size_execute0_lowered;
	s3 =	sadd.s32 s3, s5;
	[dreg:$0x0] =	wrdreg $0x0  }
0x20: {  	s5 =	sshll.u32 s28, $0x1;
	[dreg:$0x2] =	wrdreg s3  }
0x21: {  	[dreg:$0x3] =	wrdreg s5  }
0x22: {  	[dreg:$0x4] =	wrdreg $0xC0  }
0x23: {  	_ =	task [dreg:s7], $0x5FFFF  }
0x24: {  	[dreg:$0x1] =	wrdreg $0xFFFFFFFF  }
0x25: {  	[dreg:$0x0] =	wrdreg $0x60  }
0x26: {  	[dreg:$0x2] =	wrdreg s25  }
0x27: {  	[dreg:$0x3] =	wrdreg s2  }
0x28: {  	[dreg:$0x4] =	wrdreg $0x9  }
0x29: {  	_ =	task.clear_ibuf [dreg:s7], $0x5FFFF;
	_ =	strace $0x90000049  }
0x2a: {  	s29 =	simm.s32 $0x9;
	_ =	strace $0x8000004B  }
0x2b: {  	_ =	swait.ge [sflag:s29], $0x1  }
0x2c: {  	[sflag:s29] =	ssyncadd.s32 $0xFFFFFFFF  }
0x2d: {  	_ =	strace $0x9000004B  }
0x2e: {  	_ =	sfence  }
0x2f: {  	s30 =	sld [smem:$0x0];
	_ =	sdelay $0x2  }
0x30: {  	s31 =	sshll.u32 s1, $0xD;
	s1 =	sshrl.u32 s1, $0x2  }
0x31: {  	s3 =	sand.u32 $0x4000, s31;
	s1 =	sadd.s32 s1, s30  }
0x32: {  	s0 =	sor.u32 s3, s0;
	s1 =	sshll.u32 s1, $0x11  }
0x33: {  	s0 =	sor.u32 s1, s0  }
0x34: {  	s0 =	sadd.s32 $0x8F2B, s0  }
0x35: {  	[sflag:s0] =	ssyncadd.remote.s32 $0x1  }
0x36: {  	_ =	sfence.sel $0xFFFF  }
0x37: {  	[dreg:$0x0] =	wrdreg $0xFFFFFFFF;
	(pc) =	sbr.abs _section_cstart, $3  }
0x38: {  	[dreg:$0x1] =	wrdreg $0xFFFFFFFF  }
0x39: {  	_ =	task.clear_ibuf [dreg:s7], $0x2FFFF;
	_ =	strace $0x9FFFFFFF  }
0x3a: {  	(tm) =	ssettm $0x7FFFFFFF  }
0x3b: {  	_ =	shalt  }
tec
execute0_lowered:
.L_overlay_start_1:
0x0: {  	(tag) =	ssettag $0x1  }
0x1: {  	s0 =	srdreg.scid  }
0x2: {  	s1 =	sshll.u32 s0, $0x4  }
0x3: {  	s0 =	stileid.u32;
	s1 =	sand.u32 $0x10, s1  }
0x4: {  	s1 =	sor.u32 s0, s1  }
0x5: {  	s6 =	rddreg [dreg:$0x0];
	s4 =	simm.s32 $0x1;
	s2 =	sshll.u32 s1, $0x7  }
0x6: {  	s7 =	simm.s32 $0x2;
	s12 =	simm.s32 $0x0;
	s1 =	ssub.s32 $0x4000, s2  }
0x7: {  	s8 =	simm.s32 $0x20000;
	s13 =	simm.s32 $0x0;
	s3 =	sand.u32 $0xF80, s1  }
0x8: {  	s9 =	simm.s32 $0x0;
	s5 =	sshrl.u32 s1, $0xC;
	p0 =	sne.s32 s3, $0x0  }
.Ltmp0:
0x9: {  	s1 =	rddreg [dreg:$0x2];
	s4 =	simm.s32 @!p0 $0x0;
	(pc) =	sbr.rel .LBB1_1-.Ltmp0, $4  }
0xa: {  	s11 =	simm.s32 $0x0;
	s3 =	rddreg [dreg:$0x1];
	s5 =	sadd.s32 s4, s5  }
0xb: {  	_ =	strace $0x8000004A;
	s4 =	simm.s32 $0x1;
	s5 =	smul.u32 $0xC8, s5  }
0xc: {  	s6 =	sadd.s32 $0x800, s6;
	s10 =	smov.u32 s2;
	[sflag:s4] =	ssyncpa.u1 $0x0  }
0xd: {  	p0 =	por $0x0, $0x0;
	[sflag:s7] =	ssyncpa.u1 $0x0;
	s7 =	sor.u32 $0x1, s5  }
.LBB1_4:
0xe: {  	s16 =	sshll.u32 s13, $0x3;
	s17 =	sand.u32 $0x78, s13  }
0xf: {  	s30 =	sand.u32 $0x7800, s13;
	s12 =	sshll.u32 s12, $0xF;
	s16 =	sand.u32 $0x3C00, s16  }
0x10: {  	s31 =	sand.u32 $0x7, s13;
	s16 =	sor.u32 s17, s16;
	s17 =	sadd.s32 s3, s30  }
0x11: {  	s13 =	sshll.u32 s31, $0x12;
	s16 =	sshrl.u32 s16, $0x3;
	s12 =	sadd.s32 s12, s17  }
0x12: {  	[tilespmem:s15+$0x0 ss:$0x81] =	vst.msk $0xffff, v1;
	s13 =	sor.u32 $0x400, s13;
	s12 =	sadd.s32 s16, s12  }
0x13: {  	[hbm4b:s12+s13] =	stream.strided.scatter [tilespmem:s14], [sflag:$0x2], $0x800, s8, s13, $0x20;
	[tilespmem:$0x2020] =	vst v63  }
.LBB1_5:
0x14: {  	s14 =	sadd.s32 $0x1, s9  }
0x15: {  	s12 =	sadd.s32 $0x1000, s10;
	s16 =	smov.u32 s10;
	p2 =	sgt.s32 s14, $0xC7  }
0x16: {  	s16 =	smov.u32 @p2 s12  }
0x17: {  	s14 =	simm.s32 @p2 $0x0;
	p2 =	sgt.s32 s16, $0x3FFF  }
0x18: {  	s16 =	smov.u32 @p2 s2;
	p2 =	sne.s32 s11, s7  }
.Ltmp1:
0x19: {  	p1 =	slt.u32 s11, $0x2;
	(pc) =	sbr.rel @!p2 .LBB1_6-.Ltmp1, $4  }
0x1a: {  	s15 =	simm.s32 @!p1 $0x2  }
0x1b: {  	s13 =	smov.u32 s10;
	p0 =	por !p0, !p0;
	_ =	swait.ge @!p1 [sflag:s15], $0x800  }
0x1c: {  	s12 =	smov.u32 s9;
	[sflag:s15] =	ssyncset.done @!p1 $0x0;
	s9 =	smov.u32 s14  }
0x1d: {  	s11 =	sadd.s32 $0x1, s11;
	[sflag:s15] =	ssyncadd.s32 @!p1 $0xFFFFF800;
	s10 =	smov.u32 s16  }
.LBB1_1:
0x1e: {  	p1 =	sge.u32 s11, s5  }
0x1f: {  	s14 =	sand.u32 @!p1 $0x1FFFFFF, s9  }
0x20: {  	s15 =	smulhi.u32 @!p1 $0x147AE15, s14;
	_ =	sdelay $0x1  }
0x21: {  	s15 =	smul.u32 @!p1 $0xC8, s15  }
0x22: {  	s16 =	sxor.u32 @!p1 $0xFFFFFFFF, s11;
	s17 =	smul.u32 @!p1 $0xC80, s10  }
0x23: {  	s31 =	sadd.s32 $0xFFFFFFFF, s11;
	s16 =	sshll.u32 @!p1 s16, $0xB;
	s14 =	ssub.s32 @!p1 s14, s15  }
0x24: {  	s15 =	sand.u32 @!p1 $0x800, s16;
	s16 =	sadd.s32 @!p1 s6, s17;
	s14 =	sshll.u32 @!p1 s14, $0x4  }
0x25: {  	s17 =	simm.s32 @!p1 $0x6400;
	s14 =	sadd.s32 @!p1 s14, s16;
	s16 =	simm.s32 @!p1 $0x10  }
0x26: {  	[tilespmem:s15], [sflag:$0x1] =	stream.strided.gather @!p1 [hbm4b:s14+s16], $0x800, s17, s16, $0x38;
	[tilespmem:$0x2020] =	vst v63  }
0x27: {  	p1 =	sge.u32 s31, s5  }
.Ltmp2:
0x28: {  	_ = 	snop;
	(pc) =	sbr.rel @p1 .LBB1_5-.Ltmp2, $1  }
0x29: {  	_ =	sdelay $0x3  }
0x2a: {  	s14 =	simm.s32 $0x1  }
0x2b: {  	s14 =	simm.s32 @!p0 $0x0  }
0x2c: {  	s15 =	sshll.u32 s14, $0xB  }
0x2d: {  	v0 =	vmov s15;
	_ =	sdelay $0x1  }
0x2e: {  	_ =	swait.ge [sflag:s4], $0x800  }
0x2f: {  	s31 =	sand.u32 $0x1, s11;
	[sflag:s4] =	ssyncset.done $0x0  }
0x30: {  	s17 =	simm.s32 $0x0;
	s14 =	smul.u32 $0x2040, s14;
	[sflag:s4] =	ssyncadd.s32 $0xFFFFF800  }
0x31: {  	s15 =	smul.u32 $0x2040, s31;
	v1 =	vld.idx.msk [tilespmem:v0+s17+$0x0 ss:$0x1], $0xffff;
	_ =	sdelay $0x1  }
0x32: {  	s14 =	sshrl.u32 s14, $0x2;
	s16 =	sshrl.u32 s15, $0x2  }
0x33: {  	s15 =	sor.u32 $0x1000, s14;
	s14 =	sor.u32 $0x1000, s16;
	s16 =	simm.s32 $0x40  }
.LBB1_3:
0x34: {  	s17 =	sshra.s32 s16, $0x2;
	p1 =	sne.s32 s16, $0x1FC0;
	s16 =	sadd.s32 $0x40, s16  }
.Ltmp3:
0x35: {  	[tilespmem:s15+$0x0 ss:$0x81] =	vst.msk $0xffff, v1;
	v1 =	vld.idx.msk [tilespmem:v0+s17+$0x0 ss:$0x1], $0xffff;
	(pc) =	sbr.rel @p1 .LBB1_3-.Ltmp3, $2  }
0x36: {  	_ =	sdelay $0x2  }
0x37: {  	s15 =	sadd.s32 $0x1, s15  }
.Ltmp4:
0x38: {  	_ = 	snop;
	(pc) =	sbr.rel .LBB1_4-.Ltmp4, $1  }
0x39: {  	_ =	sdelay $0x3  }
.LBB1_6:
0x3a: {  	_ =	sfence.sel $0x180000  }
0x3b: {  	s2 =	simm.s32 $0x1;
	[bflag:$0x0] =	sbarrier.arrive $0xFFFF  }
0x3c: {  	s31 =	simm.s32 $0x2;
	[sflag:s2] =	ssyncpa.u1 $0x1  }
0x3d: {  	[sflag:s31] =	ssyncpa.u1 $0x1  }
0x3e: {  	p0 =	sne.s32 s0, $0x0;
	_ =	strace $0x9000004A  }
0x3f: {  	s0 =	sadd.s32 @!p0 $0x100000, s1;
	[bflag:$0x2] =	sbarrier.arrive $0xFFFF  }
0x40: {  	[sflag:s0] =	ssyncadd.tile.s32 @!p0 $0x1;
	_ =	shalt  }
.Lfunc_end1:
_tile_overlayer_lowered:
.L_overlay_start_2:
0x41: {  	(tag) =	ssettag $0x2  }
0x42: {  	s0 =	rddreg [dreg:$0x0];
	s2 =	stileid.u32  }
0x43: {  	s1 =	rddreg [dreg:$0x1];
	p0 =	sne.s32 s2, $0x0  }
0x44: {  	s3 =	rddreg [dreg:$0x2];
	[bflag:$0x3] =	sbarrier.arrive $0xFFFF;
	s2 =	simm.s32 @!p0 $0x1C01  }
0x45: {  	[timem:s3], [sflag:s2] =	dma.local @!p0 [hbm:s0], s1  }
0x46: {  	s0 =	simm.s32 @!p0 $0x1  }
0x47: {  	_ =	swait.ge @!p0 [sflag:s0], s1  }
0x48: {  	s1 =	ssub.s32 @!p0 $0x0, s1;
	[sflag:s0] =	ssyncset.done @!p0 $0x0  }
0x49: {  	[sflag:s0] =	ssyncadd.s32 @!p0 s1  }
0x4a: {  	[bflag:$0x3] =	sbarrier.arrive $0xFFFF  }
0x4b: {  	_ =	shalt  }

</sc_bundles>
